<compile_context>
chip_gen: v7x
topology: tpu7x:2x2x1
jax: 0.10.2.dev20260603
libtpu: 0.0.44.dev20260713+nightly
codegen_flags: <defaults>
</compile_context>

<pallas_src>
import functools

import jax
import jax.numpy as jnp
from jax import lax
from jax.experimental import pallas as pl
from jax.experimental.pallas import tpu as pltpu
from jax.experimental.pallas import tpu_sc as plsc

Q = 1000
QP = 1024
N = 4096
NC = 2
NS = 16
NW = NC * NS
CH = 32
RB = 512


@functools.lru_cache(maxsize=None)
def _make_sc_gather(V, D, B, ch, dtype_name):
    dtype = jnp.dtype(dtype_name)
    b_per_w = B // NW
    n_chunks = b_per_w // ch

    mesh = plsc.VectorSubcoreMesh(
        core_axis_name="c", subcore_axis_name="s",
        num_cores=NC, num_subcores=NS)

    @functools.partial(
        pl.kernel,
        out_type=jax.ShapeDtypeStruct((B, D), dtype),
        mesh=mesh,
        scratch_types=[
            pltpu.VMEM((b_per_w,), jnp.int32),
            pltpu.VMEM((ch, D), dtype),
            pltpu.VMEM((ch, D), dtype),
            pltpu.SemaphoreType.DMA,
            pltpu.SemaphoreType.DMA,
        ],
    )
    def gather(table_hbm, idx_hbm, out_hbm, idx_v, buf0, buf1, sem0, sem1):
        wid = lax.axis_index("c") * NS + lax.axis_index("s")
        base = wid * b_per_w
        pltpu.sync_copy(idx_hbm.at[pl.ds(base, b_per_w)], idx_v)
        bufs = (buf0, buf1)
        sems = (sem0, sem1)
        handles = [None] * n_chunks
        handles[0] = pltpu.async_copy(
            table_hbm.at[idx_v.at[pl.ds(0, ch)]], bufs[0], sems[0])
        for c in range(n_chunks):
            handles[c].wait()
            if c + 1 < n_chunks:
                handles[c + 1] = pltpu.async_copy(
                    table_hbm.at[idx_v.at[pl.ds((c + 1) * ch, ch)]],
                    bufs[(c + 1) % 2], sems[(c + 1) % 2])
            pltpu.sync_copy(bufs[c % 2],
                            out_hbm.at[pl.ds(base + c * ch, ch)])

    return gather


def _gram_body(g_ref, out_ref):
    i = pl.program_id(0)
    rows = g_ref[pl.ds(i * RB, RB), :]
    out_ref[...] = lax.dot_general(
        rows, g_ref[...], (((1,), (1,)), ((), ())),
        preferred_element_type=jnp.float32)


_gram = pl.pallas_call(
    _gram_body,
    grid=(N // RB,),
    in_specs=[pl.BlockSpec((N, QP), lambda i: (0, 0))],
    out_specs=pl.BlockSpec((RB, N), lambda i: (i, 0)),
    out_shape=jax.ShapeDtypeStruct((N, N), jnp.float32),
)


def kernel(view_indices, L):
    vi = view_indices.astype(jnp.int32)
    Lp = jnp.pad(L, ((0, 0), (0, QP - Q)))
    G = _make_sc_gather(Q, QP, N, CH, "float32")(Lp, vi)
    return _gram(G)

# --- scband reference (transcript-rebuilt; emitter-appended) ---
"""Pipeline reference for scband-full-rank-kernel-55911884259487 (READ-ONLY COPY).

The authoritative reference and input builder live on the scoring server;
editing this copy changes nothing except your own understanding.
"""

import jax, jax.numpy as jnp
import numpy as np

N_VIEWS = 1000
N = 4096

def setup_inputs(seed: int = 0) -> dict:
    key = jax.random.key(seed)
    k1, k2 = jax.random.split(key)
    view_indices = jax.random.randint(k1, (N,), 0, N_VIEWS, dtype=jnp.int64 if jax.config.jax_enable_x64 else jnp.int32).astype(jnp.int32)
    # Learned parameter L, initialized as identity (per nn.Parameter(torch.eye(n_views)))
    # plus tiny noise so gradients/outputs are non-degenerate.
    L = jnp.eye(N_VIEWS, dtype=jnp.float32) + 0.01 * jax.random.normal(k2, (N_VIEWS, N_VIEWS), dtype=jnp.float32)
    return {"view_indices": view_indices, "L": L}

def reference(view_indices, L):
    # K_full = L @ L.T  (full-rank PSD kernel over Q views)
    K_full = jnp.matmul(L, L.T)
    # Gather rows then columns: K_full[view_indices][:, view_indices] -> [N, N]
    K_rows = jnp.take(K_full, view_indices, axis=0)
    K = jnp.take(K_rows, view_indices, axis=1)
    return K

if __name__ == "__main__":
    import jax
    _d = setup_inputs()
    print(jax.jit(kernel)(*tuple(_d.values())))

</pallas_src>

<mosaic_0001>
#map = affine_map<(d0, d1) -> (0, 0)>
#map1 = affine_map<(d0, d1) -> (0)>
module attributes {stable_mosaic.version = 14 : i64} {
  func.func @gather(%arg0: i32, %arg1: i32, %arg2: memref<1000x1024xf32, #tpu.memory_space<hbm>>, %arg3: memref<4096xi32, #tpu.memory_space<hbm>>, %arg4: memref<4096x1024xf32, #tpu.memory_space<hbm>>, %arg5: memref<128xi32, #tpu.memory_space<vmem>>, %arg6: memref<32x1024xf32, #tpu.memory_space<vmem>>, %arg7: memref<32x1024xf32, #tpu.memory_space<vmem>>, %arg8: memref<!tpu.dma_semaphore, #tpu.memory_space<semaphore_mem>>, %arg9: memref<!tpu.dma_semaphore, #tpu.memory_space<semaphore_mem>>) attributes {dimension_semantics = [#tpu.dimension_semantics<core_parallel>, #tpu.dimension_semantics<subcore_parallel>], iteration_bounds = array<i64: 2, 16>, scalar_prefetch = 0 : i64, scratch_operands = 5 : i64, tpu.core_type = #tpu.core_type<sc_vector_subcore>, window_params = [{transform_indices = #map}, {transform_indices = #map1}, {transform_indices = #map}]} {
    %mul3A = arith.constant 16 : i32
    %mul3A_0 = arith.muli %arg0, %mul3A : i32
    %add3A = arith.addi %mul3A_0, %arg1 : i32
    %mul3A_1 = arith.constant 128 : i32
    %mul3A_2 = arith.muli %add3A, %mul3A_1 : i32
    "tpu.region"() ({
      %run_scoped3A = tpu.sem_alloc : memref<!tpu.dma_semaphore, #tpu.memory_space<semaphore_mem>>
      %dma_start3A_49 = tpu.memref_slice %arg3[%mul3A_2] : memref<4096xi32, #tpu.memory_space<hbm>> -> memref<128xi32, #tpu.memory_space<hbm>>
      %dma_start3A_50 = tpu.memref_slice %arg3[%mul3A_2] : memref<4096xi32, #tpu.memory_space<hbm>> -> memref<128xi32, #tpu.memory_space<hbm>>
      tpu.enqueue_dma source(%dma_start3A_50 : memref<128xi32, #tpu.memory_space<hbm>>) target(%arg5 : memref<128xi32, #tpu.memory_space<vmem>>) target_semaphore(%run_scoped3A : memref<!tpu.dma_semaphore, #tpu.memory_space<semaphore_mem>>)
      %dma_wait3A_51 = tpu.memref_slice %arg3[%mul3A_2] : memref<4096xi32, #tpu.memory_space<hbm>> -> memref<128xi32, #tpu.memory_space<hbm>>
      %dma_wait3A_52 = tpu.memref_slice %arg3[%mul3A_2] : memref<4096xi32, #tpu.memory_space<hbm>> -> memref<128xi32, #tpu.memory_space<hbm>>
      tpu.wait_dma2 semaphore(%run_scoped3A : memref<!tpu.dma_semaphore, #tpu.memory_space<semaphore_mem>>) src(%dma_wait3A_52 : memref<128xi32, #tpu.memory_space<hbm>>) dst(%arg5 : memref<128xi32, #tpu.memory_space<vmem>>)
      tpu.yield
    }) : () -> ()
    %dma_start3A = arith.constant 0 : i32
    %dma_start3A_3 = tpu.memref_slice %arg5[%dma_start3A] : memref<128xi32, #tpu.memory_space<vmem>> -> memref<32xi32, #tpu.memory_space<vmem>>
    %dma_start3A_4 = arith.constant 0 : i32
    %dma_start3A_5 = arith.constant 0 : i32
    %dma_start3A_6 = tpu.memref_slice %arg2[%dma_start3A_4, %dma_start3A_5] : memref<1000x1024xf32, #tpu.memory_space<hbm>> -> memref<1000x1024xf32, #tpu.memory_space<hbm>>
    tpu.enqueue_indirect_dma source(%dma_start3A_6 : memref<1000x1024xf32, #tpu.memory_space<hbm>>) target(%arg6 : memref<32x1024xf32, #tpu.memory_space<vmem>>) offsets(%dma_start3A_3 : memref<32xi32, #tpu.memory_space<vmem>>) semaphore(%arg8 : memref<!tpu.dma_semaphore, #tpu.memory_space<semaphore_mem>>)
    %dma_wait3A = arith.constant 0 : i32
    %dma_wait3A_7 = tpu.memref_slice %arg5[%dma_wait3A] : memref<128xi32, #tpu.memory_space<vmem>> -> memref<32xi32, #tpu.memory_space<vmem>>
    %dma_wait3A_8 = arith.constant 0 : i32
    %dma_wait3A_9 = arith.constant 0 : i32
    %dma_wait3A_10 = tpu.memref_slice %arg2[%dma_wait3A_8, %dma_wait3A_9] : memref<1000x1024xf32, #tpu.memory_space<hbm>> -> memref<1000x1024xf32, #tpu.memory_space<hbm>>
    tpu.wait_indirect_dma semaphore(%arg8 : memref<!tpu.dma_semaphore, #tpu.memory_space<semaphore_mem>>) src(%dma_wait3A_10 : memref<1000x1024xf32, #tpu.memory_space<hbm>>) dst(%arg6 : memref<32x1024xf32, #tpu.memory_space<vmem>>)
    %dma_start3A_11 = arith.constant 32 : i32
    %dma_start3A_12 = tpu.memref_slice %arg5[%dma_start3A_11] : memref<128xi32, #tpu.memory_space<vmem>> -> memref<32xi32, #tpu.memory_space<vmem>>
    %dma_start3A_13 = arith.constant 0 : i32
    %dma_start3A_14 = arith.constant 0 : i32
    %dma_start3A_15 = tpu.memref_slice %arg2[%dma_start3A_13, %dma_start3A_14] : memref<1000x1024xf32, #tpu.memory_space<hbm>> -> memref<1000x1024xf32, #tpu.memory_space<hbm>>
    tpu.enqueue_indirect_dma source(%dma_start3A_15 : memref<1000x1024xf32, #tpu.memory_space<hbm>>) target(%arg7 : memref<32x1024xf32, #tpu.memory_space<vmem>>) offsets(%dma_start3A_12 : memref<32xi32, #tpu.memory_space<vmem>>) semaphore(%arg9 : memref<!tpu.dma_semaphore, #tpu.memory_space<semaphore_mem>>)
    %add3A_16 = arith.constant 0 : i32
    %add3A_17 = arith.addi %mul3A_2, %add3A_16 : i32
    "tpu.region"() ({
      %run_scoped3A = tpu.sem_alloc : memref<!tpu.dma_semaphore, #tpu.memory_space<semaphore_mem>>
      %dma_start3A_49 = arith.constant 0 : i32
      %dma_start3A_50 = tpu.memref_slice %arg4[%add3A_17, %dma_start3A_49] : memref<4096x1024xf32, #tpu.memory_space<hbm>> -> memref<32x1024xf32, #tpu.memory_space<hbm>>
      %dma_start3A_51 = arith.constant 0 : i32
      %dma_start3A_52 = tpu.memref_slice %arg4[%add3A_17, %dma_start3A_51] : memref<4096x1024xf32, #tpu.memory_space<hbm>> -> memref<32x1024xf32, #tpu.memory_space<hbm>>
      tpu.enqueue_dma source(%arg6 : memref<32x1024xf32, #tpu.memory_space<vmem>>) target(%dma_start3A_52 : memref<32x1024xf32, #tpu.memory_space<hbm>>) target_semaphore(%run_scoped3A : memref<!tpu.dma_semaphore, #tpu.memory_space<semaphore_mem>>)
      %dma_wait3A_53 = arith.constant 0 : i32
      %dma_wait3A_54 = tpu.memref_slice %arg4[%add3A_17, %dma_wait3A_53] : memref<4096x1024xf32, #tpu.memory_space<hbm>> -> memref<32x1024xf32, #tpu.memory_space<hbm>>
      %dma_wait3A_55 = arith.constant 0 : i32
      %dma_wait3A_56 = tpu.memref_slice %arg4[%add3A_17, %dma_wait3A_55] : memref<4096x1024xf32, #tpu.memory_space<hbm>> -> memref<32x1024xf32, #tpu.memory_space<hbm>>
      tpu.wait_dma2 semaphore(%run_scoped3A : memref<!tpu.dma_semaphore, #tpu.memory_space<semaphore_mem>>) src(%arg6 : memref<32x1024xf32, #tpu.memory_space<vmem>>) dst(%dma_wait3A_56 : memref<32x1024xf32, #tpu.memory_space<hbm>>)
      tpu.yield
    }) : () -> ()
    %dma_wait3A_18 = arith.constant 32 : i32
    %dma_wait3A_19 = tpu.memref_slice %arg5[%dma_wait3A_18] : memref<128xi32, #tpu.memory_space<vmem>> -> memref<32xi32, #tpu.memory_space<vmem>>
    %dma_wait3A_20 = arith.constant 0 : i32
    %dma_wait3A_21 = arith.constant 0 : i32
    %dma_wait3A_22 = tpu.memref_slice %arg2[%dma_wait3A_20, %dma_wait3A_21] : memref<1000x1024xf32, #tpu.memory_space<hbm>> -> memref<1000x1024xf32, #tpu.memory_space<hbm>>
    tpu.wait_indirect_dma semaphore(%arg9 : memref<!tpu.dma_semaphore, #tpu.memory_space<semaphore_mem>>) src(%dma_wait3A_22 : memref<1000x1024xf32, #tpu.memory_space<hbm>>) dst(%arg7 : memref<32x1024xf32, #tpu.memory_space<vmem>>)
    %dma_start3A_23 = arith.constant 64 : i32
    %dma_start3A_24 = tpu.memref_slice %arg5[%dma_start3A_23] : memref<128xi32, #tpu.memory_space<vmem>> -> memref<32xi32, #tpu.memory_space<vmem>>
    %dma_start3A_25 = arith.constant 0 : i32
    %dma_start3A_26 = arith.constant 0 : i32
    %dma_start3A_27 = tpu.memref_slice %arg2[%dma_start3A_25, %dma_start3A_26] : memref<1000x1024xf32, #tpu.memory_space<hbm>> -> memref<1000x1024xf32, #tpu.memory_space<hbm>>
    tpu.enqueue_indirect_dma source(%dma_start3A_27 : memref<1000x1024xf32, #tpu.memory_space<hbm>>) target(%arg6 : memref<32x1024xf32, #tpu.memory_space<vmem>>) offsets(%dma_start3A_24 : memref<32xi32, #tpu.memory_space<vmem>>) semaphore(%arg8 : memref<!tpu.dma_semaphore, #tpu.memory_space<semaphore_mem>>)
    %add3A_28 = arith.constant 32 : i32
    %add3A_29 = arith.addi %mul3A_2, %add3A_28 : i32
    "tpu.region"() ({
      %run_scoped3A = tpu.sem_alloc : memref<!tpu.dma_semaphore, #tpu.memory_space<semaphore_mem>>
      %dma_start3A_49 = arith.constant 0 : i32
      %dma_start3A_50 = tpu.memref_slice %arg4[%add3A_29, %dma_start3A_49] : memref<4096x1024xf32, #tpu.memory_space<hbm>> -> memref<32x1024xf32, #tpu.memory_space<hbm>>
      %dma_start3A_51 = arith.constant 0 : i32
      %dma_start3A_52 = tpu.memref_slice %arg4[%add3A_29, %dma_start3A_51] : memref<4096x1024xf32, #tpu.memory_space<hbm>> -> memref<32x1024xf32, #tpu.memory_space<hbm>>
      tpu.enqueue_dma source(%arg7 : memref<32x1024xf32, #tpu.memory_space<vmem>>) target(%dma_start3A_52 : memref<32x1024xf32, #tpu.memory_space<hbm>>) target_semaphore(%run_scoped3A : memref<!tpu.dma_semaphore, #tpu.memory_space<semaphore_mem>>)
      %dma_wait3A_53 = arith.constant 0 : i32
      %dma_wait3A_54 = tpu.memref_slice %arg4[%add3A_29, %dma_wait3A_53] : memref<4096x1024xf32, #tpu.memory_space<hbm>> -> memref<32x1024xf32, #tpu.memory_space<hbm>>
      %dma_wait3A_55 = arith.constant 0 : i32
      %dma_wait3A_56 = tpu.memref_slice %arg4[%add3A_29, %dma_wait3A_55] : memref<4096x1024xf32, #tpu.memory_space<hbm>> -> memref<32x1024xf32, #tpu.memory_space<hbm>>
      tpu.wait_dma2 semaphore(%run_scoped3A : memref<!tpu.dma_semaphore, #tpu.memory_space<semaphore_mem>>) src(%arg7 : memref<32x1024xf32, #tpu.memory_space<vmem>>) dst(%dma_wait3A_56 : memref<32x1024xf32, #tpu.memory_space<hbm>>)
      tpu.yield
    }) : () -> ()
    %dma_wait3A_30 = arith.constant 64 : i32
    %dma_wait3A_31 = tpu.memref_slice %arg5[%dma_wait3A_30] : memref<128xi32, #tpu.memory_space<vmem>> -> memref<32xi32, #tpu.memory_space<vmem>>
    %dma_wait3A_32 = arith.constant 0 : i32
    %dma_wait3A_33 = arith.constant 0 : i32
    %dma_wait3A_34 = tpu.memref_slice %arg2[%dma_wait3A_32, %dma_wait3A_33] : memref<1000x1024xf32, #tpu.memory_space<hbm>> -> memref<1000x1024xf32, #tpu.memory_space<hbm>>
    tpu.wait_indirect_dma semaphore(%arg8 : memref<!tpu.dma_semaphore, #tpu.memory_space<semaphore_mem>>) src(%dma_wait3A_34 : memref<1000x1024xf32, #tpu.memory_space<hbm>>) dst(%arg6 : memref<32x1024xf32, #tpu.memory_space<vmem>>)
    %dma_start3A_35 = arith.constant 96 : i32
    %dma_start3A_36 = tpu.memref_slice %arg5[%dma_start3A_35] : memref<128xi32, #tpu.memory_space<vmem>> -> memref<32xi32, #tpu.memory_space<vmem>>
    %dma_start3A_37 = arith.constant 0 : i32
    %dma_start3A_38 = arith.constant 0 : i32
    %dma_start3A_39 = tpu.memref_slice %arg2[%dma_start3A_37, %dma_start3A_38] : memref<1000x1024xf32, #tpu.memory_space<hbm>> -> memref<1000x1024xf32, #tpu.memory_space<hbm>>
    tpu.enqueue_indirect_dma source(%dma_start3A_39 : memref<1000x1024xf32, #tpu.memory_space<hbm>>) target(%arg7 : memref<32x1024xf32, #tpu.memory_space<vmem>>) offsets(%dma_start3A_36 : memref<32xi32, #tpu.memory_space<vmem>>) semaphore(%arg9 : memref<!tpu.dma_semaphore, #tpu.memory_space<semaphore_mem>>)
    %add3A_40 = arith.constant 64 : i32
    %add3A_41 = arith.addi %mul3A_2, %add3A_40 : i32
    "tpu.region"() ({
      %run_scoped3A = tpu.sem_alloc : memref<!tpu.dma_semaphore, #tpu.memory_space<semaphore_mem>>
      %dma_start3A_49 = arith.constant 0 : i32
      %dma_start3A_50 = tpu.memref_slice %arg4[%add3A_41, %dma_start3A_49] : memref<4096x1024xf32, #tpu.memory_space<hbm>> -> memref<32x1024xf32, #tpu.memory_space<hbm>>
      %dma_start3A_51 = arith.constant 0 : i32
      %dma_start3A_52 = tpu.memref_slice %arg4[%add3A_41, %dma_start3A_51] : memref<4096x1024xf32, #tpu.memory_space<hbm>> -> memref<32x1024xf32, #tpu.memory_space<hbm>>
      tpu.enqueue_dma source(%arg6 : memref<32x1024xf32, #tpu.memory_space<vmem>>) target(%dma_start3A_52 : memref<32x1024xf32, #tpu.memory_space<hbm>>) target_semaphore(%run_scoped3A : memref<!tpu.dma_semaphore, #tpu.memory_space<semaphore_mem>>)
      %dma_wait3A_53 = arith.constant 0 : i32
      %dma_wait3A_54 = tpu.memref_slice %arg4[%add3A_41, %dma_wait3A_53] : memref<4096x1024xf32, #tpu.memory_space<hbm>> -> memref<32x1024xf32, #tpu.memory_space<hbm>>
      %dma_wait3A_55 = arith.constant 0 : i32
      %dma_wait3A_56 = tpu.memref_slice %arg4[%add3A_41, %dma_wait3A_55] : memref<4096x1024xf32, #tpu.memory_space<hbm>> -> memref<32x1024xf32, #tpu.memory_space<hbm>>
      tpu.wait_dma2 semaphore(%run_scoped3A : memref<!tpu.dma_semaphore, #tpu.memory_space<semaphore_mem>>) src(%arg6 : memref<32x1024xf32, #tpu.memory_space<vmem>>) dst(%dma_wait3A_56 : memref<32x1024xf32, #tpu.memory_space<hbm>>)
      tpu.yield
    }) : () -> ()
    %dma_wait3A_42 = arith.constant 96 : i32
    %dma_wait3A_43 = tpu.memref_slice %arg5[%dma_wait3A_42] : memref<128xi32, #tpu.memory_space<vmem>> -> memref<32xi32, #tpu.memory_space<vmem>>
    %dma_wait3A_44 = arith.constant 0 : i32
    %dma_wait3A_45 = arith.constant 0 : i32
    %dma_wait3A_46 = tpu.memref_slice %arg2[%dma_wait3A_44, %dma_wait3A_45] : memref<1000x1024xf32, #tpu.memory_space<hbm>> -> memref<1000x1024xf32, #tpu.memory_space<hbm>>
    tpu.wait_indirect_dma semaphore(%arg9 : memref<!tpu.dma_semaphore, #tpu.memory_space<semaphore_mem>>) src(%dma_wait3A_46 : memref<1000x1024xf32, #tpu.memory_space<hbm>>) dst(%arg7 : memref<32x1024xf32, #tpu.memory_space<vmem>>)
    %add3A_47 = arith.constant 96 : i32
    %add3A_48 = arith.addi %mul3A_2, %add3A_47 : i32
    "tpu.region"() ({
      %run_scoped3A = tpu.sem_alloc : memref<!tpu.dma_semaphore, #tpu.memory_space<semaphore_mem>>
      %dma_start3A_49 = arith.constant 0 : i32
      %dma_start3A_50 = tpu.memref_slice %arg4[%add3A_48, %dma_start3A_49] : memref<4096x1024xf32, #tpu.memory_space<hbm>> -> memref<32x1024xf32, #tpu.memory_space<hbm>>
      %dma_start3A_51 = arith.constant 0 : i32
      %dma_start3A_52 = tpu.memref_slice %arg4[%add3A_48, %dma_start3A_51] : memref<4096x1024xf32, #tpu.memory_space<hbm>> -> memref<32x1024xf32, #tpu.memory_space<hbm>>
      tpu.enqueue_dma source(%arg7 : memref<32x1024xf32, #tpu.memory_space<vmem>>) target(%dma_start3A_52 : memref<32x1024xf32, #tpu.memory_space<hbm>>) target_semaphore(%run_scoped3A : memref<!tpu.dma_semaphore, #tpu.memory_space<semaphore_mem>>)
      %dma_wait3A_53 = arith.constant 0 : i32
      %dma_wait3A_54 = tpu.memref_slice %arg4[%add3A_48, %dma_wait3A_53] : memref<4096x1024xf32, #tpu.memory_space<hbm>> -> memref<32x1024xf32, #tpu.memory_space<hbm>>
      %dma_wait3A_55 = arith.constant 0 : i32
      %dma_wait3A_56 = tpu.memref_slice %arg4[%add3A_48, %dma_wait3A_55] : memref<4096x1024xf32, #tpu.memory_space<hbm>> -> memref<32x1024xf32, #tpu.memory_space<hbm>>
      tpu.wait_dma2 semaphore(%run_scoped3A : memref<!tpu.dma_semaphore, #tpu.memory_space<semaphore_mem>>) src(%arg7 : memref<32x1024xf32, #tpu.memory_space<vmem>>) dst(%dma_wait3A_56 : memref<32x1024xf32, #tpu.memory_space<hbm>>)
      tpu.yield
    }) : () -> ()
    return
  }
}

module attributes {stable_mosaic.version = 14 : i64} {
  func.func @_gram_body(%arg0: i32, %arg1: memref<4096x1024xf32, #tpu.memory_space<vmem>>, %arg2: memref<512x4096xf32, #tpu.memory_space<vmem>>) attributes {dimension_semantics = [#tpu.dimension_semantics<arbitrary>], iteration_bounds = array<i64: 8>, scalar_prefetch = 0 : i64, scratch_operands = 0 : i64, tpu.core_type = #tpu.core_type<tc>, window_params = [{pipeline_mode = #tpu.pipeline_mode<synchronous>, transform_indices = @transform_0, window_bounds = array<i64: 4096, 1024>}, {transform_indices = @transform_1, window_bounds = array<i64: 512, 4096>}]} {
    %mul3A = arith.constant 512 : i32
    %mul3A_0 = arith.muli %arg0, %mul3A : i32
    %get3A = arith.index_cast %mul3A_0 : i32 to index
    %get3A_1 = arith.constant 0 : index
    %get3A_2 = vector.load %arg1[%get3A, %get3A_1] : memref<4096x1024xf32, #tpu.memory_space<vmem>>, vector<512x1024xf32>
    %get3A_3 = arith.constant 0 : index
    %get3A_4 = arith.constant 0 : index
    %get3A_5 = vector.load %arg1[%get3A_3, %get3A_4] : memref<4096x1024xf32, #tpu.memory_space<vmem>>, vector<4096x1024xf32>
    %dot_general3A = arith.constant dense<0.000000e+00> : vector<512x4096xf32>
    %dot_general3A_6 = tpu.matmul %get3A_2, %get3A_5, %dot_general3A {dimension_numbers = #tpu.dot_dimension_numbers<[1], [1], [0], [0], [0, 0, 1, 0], [], []>, transpose_lhs_hint = false} : vector<512x1024xf32>, vector<4096x1024xf32>, vector<512x4096xf32> -> vector<512x4096xf32>
    %swap3A = arith.constant 0 : index
    %swap3A_7 = arith.constant 0 : index
    %swap3A_8 = vector.load %arg2[%swap3A, %swap3A_7] : memref<512x4096xf32, #tpu.memory_space<vmem>>, vector<512x4096xf32>
    tpu.vector_store %arg2[%swap3A, %swap3A_7], %dot_general3A_6 {strides = array<i32>} : memref<512x4096xf32, #tpu.memory_space<vmem>>, vector<512x4096xf32>,
    return
  }
  func.func @transform_0(%arg0: i32) -> (i32, i32) {
    %c0_i32 = arith.constant 0 : i32
    %c0_i32_0 = arith.constant 0 : i32
    %c0_i32_1 = arith.constant 0 : i32
    return %c0_i32, %c0_i32_0 : i32, i32
  }
  func.func @transform_1(%arg0: i32) -> (i32, i32) {
    %c0_i32 = arith.constant 0 : i32
    %c0_i32_0 = arith.constant 0 : i32
    return %arg0, %c0_i32 : i32, i32
  }
}

</mosaic_0001>

<sc_bundles>
// kernel: kernel.4.cloned.1.call-start
scs
__scs_entry_jumppad:
0x0: {  	(pc) =	sbr.rel $0x88, $3  }
0x1: {  	(tag) =	ssettag $0x0;
	lr =	simm.s32 $0x1  }
0x2: {  	[smem:$0x3F9F] =	sst lr;
	_ =	strace $0xD0000000  }
0x3: {  	_ = 	snop  }
0x4: {  	_ = 	snop  }
0x5: {  	_ = 	snop  }
0x6: {  	_ = 	snop  }
0x7: {  	_ = 	snop  }
__scs_overlays_trampoline_lowered:
0x8: {  	[smem:$0x3FAE] =	sst s0  }
0x9: {  	[smem:$0x3FAF] =	sst s1  }
0xa: {  	[smem:$0x3FB0] =	sst s2  }
0xb: {  	[smem:$0x3FB1] =	sst s3  }
0xc: {  	[smem:$0x3FB2] =	sst s4  }
0xd: {  	[smem:$0x3FB3] =	sst s5  }
0xe: {  	[smem:$0x3FB4] =	sst s6  }
0xf: {  	[smem:$0x3FB5] =	sst s7  }
0x10: {  	[smem:$0x3FB6] =	sst s8  }
0x11: {  	[smem:$0x3FB7] =	sst s9;
	s0 =	simm.s32 @!p0 $0x0  }
0x12: {  	s1 =	sld [smem:$0x3F9D];
	s0 =	simm.s32 @p0 $0x1  }
0x13: {  	[smem:$0x3FB8] =	sst s0;
	s0 =	simm.s32 @!p1 $0x0  }
0x14: {  	s2 =	sld [smem:$0x3F9C];
	s0 =	simm.s32 @p1 $0x1  }
0x15: {  	[smem:$0x3FB9] =	sst s0;
	s0 =	simm.s32 @!p2 $0x0  }
0x16: {  	s3 =	sld [smem:$0x3FDB];
	s0 =	simm.s32 @p2 $0x1  }
0x17: {  	s4 =	simm.s32 $0x1BF5;
	[smem:$0x3FBB] =	sst s0  }
0x18: {  	s0 =	sld [smem:$0x3F9E];
	_ =	swait.ge [sflag:s4], $0x0  }
0x19: {  	s7 =	sld [smem:$0x3F9F]  }
0x1a: {  	s8 =	sadd.s32 $0xFFFFE003, lr  }
0x1b: {  	s9 =	sadd.s32 $0xFFFFFEF7, lr;
	s5 =	simm.s32 $0xFFFFFFFF;
	p2 =	slt.u32 s8, $0xFFFFF086  }
0x1c: {  	p1 =	slt.u32 s9, $0xF7A;
	s5 =	simm.s32 @!p2 $0x0  }
0x1d: {  	s5 =	simm.s32 @p1 $0x1;
	p0 =	seq.s32 s7, s2  }
0x1e: {  	s7 =	smul.u32 @!p0 $0xF7A, s2;
	p2 =	seq.s32 @!p0 s5, $0x0  }
0x1f: {  	s9 =	smul.u32 $0xF7A, s1;
	s8 =	simm.s32 @!p0 $0x1BF5;
	p2 =	por !p2, p0  }
0x20: {  	[sflag:s8] =	ssyncset.s32 @!p0 $0xFFFFF086;
	s6 =	sadd.s32 @!p0 s3, s7;
	s7 =	simm.s32 @!p0 $0x108  }
0x21: {  	s3 =	sadd.s32 s3, s9;
	s6 =	sadd.s32 @!p0 $0x88, s6;
	s7 =	simm.s32 @p2 $0x1082  }
0x22: {  	[simem:s7], [sflag:s8] =	dma.local @!p0 [hbm:s6], $0xF7A  }
0x23: {  	s9 =	sor.u32 $0xD0000000, s2;
	s6 =	simm.s32 $0x108;
	_ =	swait.ge @!p0 [sflag:s8], $0x0  }
0x24: {  	s3 =	sadd.s32 $0x88, s3;
	s6 =	simm.s32 @!p1 $0x1082;
	[sflag:s4] =	ssyncset.s32 $0xFFFFF086  }
0x25: {  	[simem:s6], [sflag:s4] =	dma.local [hbm:s3], $0xF7A  }
0x26: {  	[smem:$0x3F9F] =	sst s1;
	(tag) =	ssettag s2;
	_ =	strace s9  }
0x27: {  	s1 =	sld [smem:$0x3FAF]  }
0x28: {  	s2 =	sld [smem:$0x3FB0]  }
0x29: {  	s4 =	sld [smem:$0x3FB2]  }
0x2a: {  	p0 =	seq.s32 s5, $0x0;
	s5 =	sld [smem:$0x3FB3]  }
0x2b: {  	s6 =	sld [smem:$0x3FB4]  }
0x2c: {  	s7 =	sld [smem:$0x3FB5]  }
0x2d: {  	s3 =	simm.s32 $0x108;
	s8 =	sld [smem:$0x3FB6]  }
0x2e: {  	s3 =	simm.s32 @!p0 $0x1082;
	s9 =	sld [smem:$0x3FB7]  }
0x2f: {  	lr =	sadd.s32 s0, s3;
	s0 =	sld [smem:$0x3FAE]  }
0x30: {  	s3 =	sld [smem:$0x3FB1]  }
0x31: {  	[smem:$0x3FBA] =	sst s10  }
0x32: {  	s10 =	sld [smem:$0x3FB8];
	_ =	sdelay $0x3  }
0x33: {  	p0 =	seq.s32 s10, $0x1;
	s10 =	sld [smem:$0x3FBA];
	_ =	sdelay $0x3  }
0x34: {  	[smem:$0x3FBA] =	sst s10  }
0x35: {  	s10 =	sld [smem:$0x3FB9];
	_ =	sdelay $0x3  }
0x36: {  	p1 =	seq.s32 s10, $0x1;
	s10 =	sld [smem:$0x3FBA];
	_ =	sdelay $0x3  }
0x37: {  	[smem:$0x3FBA] =	sst s10  }
0x38: {  	s10 =	sld [smem:$0x3FBB]  }
0x39: {  	_ = 	snop;
	(pc) =	sbr.ind lr, $3  }
0x3a: {  	_ = 	snop  }
0x3b: {  	_ = 	snop  }
0x3c: {  	p2 =	seq.s32 s10, $0x1;
	s10 =	sld [smem:$0x3FBA]  }
0x3d: {  	_ =	shalt  }
0x3e: {  	_ =	shalt  }
0x3f: {  	_ =	shalt  }
0x40: {  	_ =	shalt  }
0x41: {  	_ =	shalt  }
0x42: {  	_ =	shalt  }
0x43: {  	_ =	shalt  }
0x44: {  	_ =	shalt  }
0x45: {  	_ =	shalt  }
0x46: {  	_ =	shalt  }
0x47: {  	_ =	shalt  }
0x48: {  	_ =	shalt  }
0x49: {  	_ =	shalt  }
0x4a: {  	_ =	shalt  }
0x4b: {  	_ =	shalt  }
0x4c: {  	_ =	shalt  }
0x4d: {  	_ =	shalt  }
0x4e: {  	_ =	shalt  }
0x4f: {  	_ =	shalt  }
0x50: {  	_ =	shalt  }
0x51: {  	_ =	shalt  }
0x52: {  	_ =	shalt  }
0x53: {  	_ =	shalt  }
0x54: {  	_ =	shalt  }
0x55: {  	_ =	shalt  }
0x56: {  	_ =	shalt  }
0x57: {  	_ =	shalt  }
0x58: {  	_ =	shalt  }
0x59: {  	_ =	shalt  }
0x5a: {  	_ =	shalt  }
0x5b: {  	_ =	shalt  }
0x5c: {  	_ =	shalt  }
0x5d: {  	_ =	shalt  }
0x5e: {  	_ =	shalt  }
0x5f: {  	_ =	shalt  }
0x60: {  	_ =	shalt  }
0x61: {  	_ =	shalt  }
0x62: {  	_ =	shalt  }
0x63: {  	_ =	shalt  }
0x64: {  	_ =	shalt  }
0x65: {  	_ =	shalt  }
0x66: {  	_ =	shalt  }
0x67: {  	_ =	shalt  }
0x68: {  	_ =	shalt  }
0x69: {  	_ =	shalt  }
0x6a: {  	_ =	shalt  }
0x6b: {  	_ =	shalt  }
0x6c: {  	_ =	shalt  }
0x6d: {  	_ =	shalt  }
0x6e: {  	_ =	shalt  }
0x6f: {  	_ =	shalt  }
0x70: {  	_ =	shalt  }
0x71: {  	_ =	shalt  }
0x72: {  	_ =	shalt  }
0x73: {  	_ =	shalt  }
0x74: {  	_ =	shalt  }
0x75: {  	_ =	shalt  }
0x76: {  	_ =	shalt  }
0x77: {  	_ =	shalt  }
0x78: {  	_ =	shalt  }
0x79: {  	_ =	shalt  }
0x7a: {  	_ =	shalt  }
0x7b: {  	_ =	shalt  }
0x7c: {  	_ =	shalt  }
0x7d: {  	_ =	shalt  }
0x7e: {  	_ =	shalt  }
0x7f: {  	_ =	shalt  }
0x80: {  	_ =	shalt  }
0x81: {  	_ =	shalt  }
0x82: {  	_ =	shalt  }
0x83: {  	_ =	shalt  }
0x84: {  	_ =	shalt  }
0x85: {  	_ =	shalt  }
0x86: {  	_ =	shalt  }
0x87: {  	_ =	shalt  }
.Lfunc_end0:
.L_simem_size_0:
called_computation_lowered:
.L_overlay_start_0:
0x88: {  	s2 =	sld [smem:$0x3FD9]  }
0x89: {  	s3 =	sld [smem:$0x3FFE];
	_ =	sdelay $0x1  }
0x8a: {  	s1 =	srdreg.scid  }
0x8b: {  	s0 =	sand.u32 $0x1, s1  }
0x8c: {  	s17 =	sshll.u32 s0, $0xA;
	s2 =	sadd.s32 s3, s2  }
0x8d: {  	s2 =	sadd.s32 s2, s17  }
0x8e: {  	[smem:$0x3FC6] =	sst s2  }
0x8f: {  	_ = 	snop  }
0x90: {  	s2 =	sld [smem:$0x3FC9]  }
0x91: {  	s18 =	sld [smem:$0x3FD0];
	(tm) =	ssettm $0x1  }
0x92: {  	s4 =	sld [smem:$0x3FFB];
	_ =	sdelay $0x3  }
0x93: {  	_ =	strace s4  }
0x94: {  	s4 =	sld [smem:$0x3FFC];
	_ =	sdelay $0x3  }
0x95: {  	_ =	strace s4  }
0x96: {  	s4 =	sld [smem:$0x3FFD];
	_ =	sdelay $0x3  }
0x97: {  	_ =	strace s4  }
0x98: {  	_ =	strace $0x8FFFFFFF  }
0x99: {  	s19 =	sld [smem:$0x3FDB];
	_ =	sdelay $0x1  }
0x9a: {  	s5 =	simm.s32 $_scs_section_size  }
0x9b: {  	s6 =	simm.s32 $_size__tile_overlayer_lowered;
	s7 =	simm.s32 $_tile_overlayer_lowered  }
0x9c: {  	s22 =	simm.s32 $0x1BFF;
	s21 =	sshll.u32 s7, $0x1;
	s4 =	sadd.s32 s5, s19  }
0x9d: {  	s8 =	simm.s32 $0x0;
	s20 =	sshll.u32 s6, $0x1;
	s6 =	sadd.s32 s21, s4  }
0x9e: {  	[timem:s8], [sflag:s22] =	dma.local [hbm:s6], s20  }
0x9f: {  	_ =	swait.ge [sflag:s22], s20  }
0xa0: {  	s5 =	ssub.s32 $0x0, s20;
	[sflag:s22] =	ssyncset.done $0x0  }
0xa1: {  	[sflag:s22] =	ssyncadd.s32 s5;
	_ =	sdelay $0x1  }
0xa2: {  	s23 =	simm.s32 $0x1B8B  }
0xa3: {  	_ =	swait.ge [sflag:s23], $0x1  }
0xa4: {  	[sflag:s23] =	ssyncset.done $0x0  }
0xa5: {  	s25 =	simm.s32 $0x1B8E;
	s24 =	sld [smem:$0x3FFE];
	[sflag:s23] =	ssyncadd.s32 $0xFFFFFFFF  }
0xa6: {  	s26 =	simm.s32 $execute0_lowered;
	[smem:$0x3FD2] =	sst s25  }
0xa7: {  	s6 =	sshll.u32 s26, $0x1;
	_ =	strace $0x80000046;
	[dreg:$0x1] =	wrdreg $0xFFFFFFFF  }
0xa8: {  	s28 =	simm.s32 $_size_execute0_lowered;
	s4 =	sadd.s32 s4, s6;
	[dreg:$0x0] =	wrdreg $0x0  }
0xa9: {  	s6 =	sshll.u32 s28, $0x1;
	[dreg:$0x2] =	wrdreg s4  }
0xaa: {  	[dreg:$0x3] =	wrdreg s6  }
0xab: {  	[dreg:$0x4] =	wrdreg $0xC0  }
0xac: {  	_ =	task [dreg:s8], $0x5FFFF  }
0xad: {  	[dreg:$0x1] =	wrdreg $0xFFFFFFFF  }
0xae: {  	[dreg:$0x0] =	wrdreg $0x60  }
0xaf: {  	[dreg:$0x2] =	wrdreg s24  }
0xb0: {  	[dreg:$0x3] =	wrdreg s2  }
0xb1: {  	[dreg:$0x4] =	wrdreg s18  }
0xb2: {  	[dreg:$0x5] =	wrdreg $0x9  }
0xb3: {  	_ =	task.clear_ibuf [dreg:s8], $0x6FFFF;
	_ =	strace $0x90000046  }
0xb4: {  	s29 =	simm.s32 $0x9;
	_ =	strace $0x80000048  }
0xb5: {  	_ =	swait.ge [sflag:s29], $0x1  }
0xb6: {  	[sflag:s29] =	ssyncadd.s32 $0xFFFFFFFF  }
0xb7: {  	_ =	strace $0x90000048  }
0xb8: {  	_ =	sfence  }
0xb9: {  	s30 =	sld [smem:$0x0];
	_ =	sdelay $0x2  }
0xba: {  	s31 =	sshll.u32 s1, $0xD;
	s1 =	sshrl.u32 s1, $0x2  }
0xbb: {  	s3 =	sand.u32 $0x4000, s31;
	s1 =	sadd.s32 s1, s30  }
0xbc: {  	s0 =	sor.u32 s3, s0;
	s1 =	sshll.u32 s1, $0x11  }
0xbd: {  	s0 =	sor.u32 s1, s0  }
0xbe: {  	s0 =	sadd.s32 $0x8F2B, s0  }
0xbf: {  	[sflag:s0] =	ssyncadd.remote.s32 $0x1  }
0xc0: {  	_ =	sfence.sel $0xFFFF  }
0xc1: {  	[dreg:$0x0] =	wrdreg $0xFFFFFFFF;
	(pc) =	sbr.abs _section_cstart, $3  }
0xc2: {  	[dreg:$0x1] =	wrdreg $0xFFFFFFFF  }
0xc3: {  	_ =	task.clear_ibuf [dreg:s8], $0x2FFFF;
	_ =	strace $0x9FFFFFFF  }
0xc4: {  	(tm) =	ssettm $0x7FFFFFFF  }
0xc5: {  	_ =	shalt  }
tec
execute0_lowered:
.L_overlay_start_1:
0x0: {  	(tag) =	ssettag $0x1  }
0x1: {  	s0 =	rddreg [dreg:$0x0]  }
0x2: {  	s1 =	rddreg [dreg:$0x1]  }
0x3: {  	s4 =	rddreg [dreg:$0x2]  }
0x4: {  	s3 =	srdreg.scid;
	s2 =	simm.s32 $0x0;
	s6 =	stileid.u32  }
0x5: {  	s9 =	simm.s32 $0x3;
	s20 =	simm.s32 $0x2;
	s28 =	simm.s32 $0x80  }
0x6: {  	s22 =	simm.s32 $0x880;
	s29 =	simm.s32 $0x2880;
	s30 =	simm.s32 $0x3080  }
0x7: {  	s31 =	simm.s32 $0x3880;
	s11 =	simm.s32 $0x5080;
	s12 =	simm.s32 $0x5880  }
0x8: {  	s13 =	simm.s32 $0x6080;
	s14 =	simm.s32 $0x6880;
	s15 =	simm.s32 $0x7080  }
0x9: {  	s16 =	simm.s32 $0x7880;
	s17 =	simm.s32 $0x8880;
	s18 =	simm.s32 $0x9080  }
0xa: {  	s19 =	simm.s32 $0x9880;
	s5 =	sand.u32 $0x1, s3;
	[smem:$0x7FF] =	sst s2  }
0xb: {  	s6 =	sshll.u32 s6, $0x7;
	s3 =	sshll.u32 s5, $0xB;
	_ =	strace $0x80000047  }
0xc: {  	s5 =	ssub.s32 $0x2, s5;
	s6 =	sor.u32 s6, s3;
	s3 =	sadd.s32 $0x600, s0  }
0xd: {  	s23 =	sshrl.u32 s5, $0x1;
	s7 =	sshrl.u32 s6, $0x3;
	s6 =	sshll.u32 s6, $0x7  }
0xe: {  	s1 =	sadd.s32 s1, s7;
	s6 =	sadd.s32 s4, s6;
	s4 =	ssub.s32 s5, s23  }
0xf: {  	s5 =	sadd.s32 $0x700, s0;
	s7 =	sadd.s32 $0x900, s0;
	[dreg:$0x4] =	wrdreg s1  }
0x10: {  	s23 =	simm.s32 $0x1080;
	s24 =	sadd.s32 $0x1000, s6;
	[dreg:$0x8] =	wrdreg s6  }
0x11: {  	s25 =	sadd.s32 $0x2000, s6;
	s26 =	sadd.s32 $0x3000, s6;
	[dreg:$0x5] =	wrdreg s24  }
0x12: {  	v2 =	vlaneseq.u32;
	s6 =	sadd.s32 $0x800, s0;
	s8 =	smax.u32 s4, $0x1;
	[dreg:$0x6] =	wrdreg s25  }
0x13: {  	vm0 =	vmmov $0xffff;
	v1 =	vshrl.u32 v2, $0x3;
	s4 =	simm.s32 $0x4080;
	s1 =	simm.s32 $0x4880;
	[dreg:$0x7] =	wrdreg s26  }
0x14: {  	v0 =	vand.u32 $0x7, v2;
	v2 =	vor.u32 $0x8, v2;
	v1 =	vmul.u32 $0x8, v1;
	s24 =	simm.s32 $0x1880;
	s25 =	simm.s32 $0x2080;
	s26 =	simm.s32 $0x8080  }
.LBB2_1:
0x15: {  	s21 =	rddreg [dreg:$0x4]  }
0x16: {  	[tilespmem:s2], [sflag:$0x3] =	stream.linear.gather [hbm4b:s21+s2], $0x80, $0x38;
	[tilespmem:$0x10080] =	vst v63  }
0x17: {  	_ =	swait.ge [sflag:s9], $0x80  }
0x18: {  	[sflag:s9] =	ssyncset.done $0x0  }
0x19: {  	[sflag:s9] =	ssyncadd.s32 $0xFFFFFF80  }
0x1a: {  	v3 =	vld [tilespmem:$0x0];
	_ =	sdelay $0x4  }
0x1b: {  	v4 =	vshll.u32 v3, $0x3  }
0x1c: {  	v3 =	vand.u32 $0x7, v3;
	v4 =	vand.u32 $0xFFFFFFC0, v4  }
0x1d: {  	v3 =	vor.u32 v3, v4  }
0x1e: {  	v4 =	vperm.xlane v3, v0;
	_ =	sdelay $0x1  }
0x1f: {  	v4 =	vadd.s32 v1, v4;
	_ =	sdelay $0x4  }
0x20: {  	[tilespmem:s28], [sflag:$0x1] =	stream.indirect_vreg.gather [hbm4b:s3+s2], $0x80, v4, vm0, $0xb8;
	[tilespmem:$0x10080] =	vst v63  }
0x21: {  	v3 =	vperm.xlane v3, v2  }
0x22: {  	[tilespmem:s22], [sflag:$0x1] =	stream.indirect_vreg.gather [hbm4b:s5+s2], $0x80, v4, vm0, $0xb8;
	[tilespmem:$0x10080] =	vst v63  }
0x23: {  	v3 =	vadd.s32 v1, v3  }
0x24: {  	[tilespmem:s23], [sflag:$0x1] =	stream.indirect_vreg.gather [hbm4b:s6+s2], $0x80, v4, vm0, $0xb8;
	[tilespmem:$0x10080] =	vst v63  }
0x25: {  	_ = 	snop  }
0x26: {  	[tilespmem:s24], [sflag:$0x1] =	stream.indirect_vreg.gather [hbm4b:s7+s2], $0x80, v4, vm0, $0xb8;
	[tilespmem:$0x10080] =	vst v63  }
0x27: {  	_ = 	snop  }
0x28: {  	[tilespmem:s25], [sflag:$0x1] =	stream.indirect_vreg.gather [hbm4b:s3+s2], $0x80, v3, vm0, $0xb8;
	[tilespmem:$0x10080] =	vst v63  }
0x29: {  	_ = 	snop  }
0x2a: {  	[tilespmem:s29], [sflag:$0x1] =	stream.indirect_vreg.gather [hbm4b:s5+s2], $0x80, v3, vm0, $0xb8;
	[tilespmem:$0x10080] =	vst v63  }
0x2b: {  	_ = 	snop  }
0x2c: {  	[tilespmem:s30], [sflag:$0x1] =	stream.indirect_vreg.gather [hbm4b:s6+s2], $0x80, v3, vm0, $0xb8;
	[tilespmem:$0x10080] =	vst v63  }
0x2d: {  	_ = 	snop  }
0x2e: {  	[tilespmem:s31], [sflag:$0x1] =	stream.indirect_vreg.gather [hbm4b:s7+s2], $0x80, v3, vm0, $0xb8;
	[tilespmem:$0x10080] =	vst v63  }
0x2f: {  	v3 =	vld [tilespmem:$0x10];
	_ =	sdelay $0x4  }
0x30: {  	v57 =	vshll.u32 v3, $0x3  }
0x31: {  	v3 =	vand.u32 $0x7, v3;
	v4 =	vand.u32 $0xFFFFFFC0, v57  }
0x32: {  	v3 =	vor.u32 v3, v4  }
0x33: {  	v4 =	vperm.xlane v3, v0;
	_ =	sdelay $0x1  }
0x34: {  	v4 =	vadd.s32 v1, v4;
	_ =	sdelay $0x4  }
0x35: {  	[tilespmem:s4], [sflag:$0x1] =	stream.indirect_vreg.gather [hbm4b:s3+s2], $0x80, v4, vm0, $0xb8;
	[tilespmem:$0x10080] =	vst v63  }
0x36: {  	v3 =	vperm.xlane v3, v2  }
0x37: {  	[tilespmem:s1], [sflag:$0x1] =	stream.indirect_vreg.gather [hbm4b:s5+s2], $0x80, v4, vm0, $0xb8;
	[tilespmem:$0x10080] =	vst v63  }
0x38: {  	v3 =	vadd.s32 v1, v3  }
0x39: {  	[tilespmem:s11], [sflag:$0x1] =	stream.indirect_vreg.gather [hbm4b:s6+s2], $0x80, v4, vm0, $0xb8;
	[tilespmem:$0x10080] =	vst v63  }
0x3a: {  	_ = 	snop  }
0x3b: {  	[tilespmem:s12], [sflag:$0x1] =	stream.indirect_vreg.gather [hbm4b:s7+s2], $0x80, v4, vm0, $0xb8;
	[tilespmem:$0x10080] =	vst v63  }
0x3c: {  	_ = 	snop  }
0x3d: {  	[tilespmem:s13], [sflag:$0x1] =	stream.indirect_vreg.gather [hbm4b:s3+s2], $0x80, v3, vm0, $0xb8;
	[tilespmem:$0x10080] =	vst v63  }
0x3e: {  	_ = 	snop  }
0x3f: {  	[tilespmem:s14], [sflag:$0x1] =	stream.indirect_vreg.gather [hbm4b:s5+s2], $0x80, v3, vm0, $0xb8;
	[tilespmem:$0x10080] =	vst v63  }
0x40: {  	_ = 	snop  }
0x41: {  	[tilespmem:s15], [sflag:$0x1] =	stream.indirect_vreg.gather [hbm4b:s6+s2], $0x80, v3, vm0, $0xb8;
	[tilespmem:$0x10080] =	vst v63  }
0x42: {  	s0 =	simm.s32 $0x1  }
0x43: {  	[tilespmem:s16], [sflag:$0x1] =	stream.indirect_vreg.gather [hbm4b:s7+s2], $0x80, v3, vm0, $0xb8;
	[tilespmem:$0x10080] =	vst v63  }
0x44: {  	_ =	swait.ge [sflag:s0], $0x8000  }
0x45: {  	[sflag:s0] =	ssyncset.done $0x0  }
0x46: {  	[sflag:s0] =	ssyncadd.s32 $0xFFFF8000  }
0x47: {  	v3 =	vld [tilespmem:$0x20];
	_ =	sdelay $0x4  }
0x48: {  	v58 =	vshll.u32 v3, $0x3  }
0x49: {  	v3 =	vand.u32 $0x7, v3;
	v4 =	vand.u32 $0xFFFFFFC0, v58  }
0x4a: {  	v3 =	vor.u32 v3, v4  }
0x4b: {  	v4 =	vperm.xlane v3, v0;
	_ =	sdelay $0x1  }
0x4c: {  	v4 =	vadd.s32 v1, v4;
	_ =	sdelay $0x4  }
0x4d: {  	[tilespmem:s26], [sflag:$0x2] =	stream.indirect_vreg.gather [hbm4b:s3+s2], $0x80, v4, vm0, $0xb8;
	[tilespmem:$0x10080] =	vst v63  }
0x4e: {  	v3 =	vperm.xlane v3, v2  }
0x4f: {  	[tilespmem:s17], [sflag:$0x2] =	stream.indirect_vreg.gather [hbm4b:s5+s2], $0x80, v4, vm0, $0xb8;
	[tilespmem:$0x10080] =	vst v63  }
0x50: {  	v3 =	vadd.s32 v1, v3  }
0x51: {  	[tilespmem:s18], [sflag:$0x2] =	stream.indirect_vreg.gather [hbm4b:s6+s2], $0x80, v4, vm0, $0xb8;
	[tilespmem:$0x10080] =	vst v63  }
0x52: {  	_ = 	snop  }
0x53: {  	[tilespmem:s19], [sflag:$0x2] =	stream.indirect_vreg.gather [hbm4b:s7+s2], $0x80, v4, vm0, $0xb8;
	[tilespmem:$0x10080] =	vst v63  }
0x54: {  	s10 =	simm.s32 $0xA080  }
0x55: {  	[tilespmem:s10], [sflag:$0x2] =	stream.indirect_vreg.gather [hbm4b:s3+s2], $0x80, v3, vm0, $0xb8;
	[tilespmem:$0x10080] =	vst v63  }
0x56: {  	s10 =	simm.s32 $0xA880  }
0x57: {  	[tilespmem:s10], [sflag:$0x2] =	stream.indirect_vreg.gather [hbm4b:s5+s2], $0x80, v3, vm0, $0xb8;
	[tilespmem:$0x10080] =	vst v63  }
0x58: {  	s21 =	simm.s32 $0xB080  }
0x59: {  	[tilespmem:s21], [sflag:$0x2] =	stream.indirect_vreg.gather [hbm4b:s6+s2], $0x80, v3, vm0, $0xb8;
	[tilespmem:$0x10080] =	vst v63  }
0x5a: {  	s21 =	simm.s32 $0xB880  }
0x5b: {  	[tilespmem:s21], [sflag:$0x2] =	stream.indirect_vreg.gather [hbm4b:s7+s2], $0x80, v3, vm0, $0xb8;
	[tilespmem:$0x10080] =	vst v63  }
0x5c: {  	v3 =	vld [tilespmem:$0x30];
	_ =	sdelay $0x4  }
0x5d: {  	v59 =	vshll.u32 v3, $0x3  }
0x5e: {  	v3 =	vand.u32 $0x7, v3;
	v4 =	vand.u32 $0xFFFFFFC0, v59  }
0x5f: {  	v3 =	vor.u32 v3, v4  }
0x60: {  	v4 =	vperm.xlane v3, v0;
	_ =	sdelay $0x1  }
0x61: {  	v4 =	vadd.s32 v1, v4;
	_ =	sdelay $0x3  }
0x62: {  	s21 =	simm.s32 $0xC080  }
0x63: {  	[tilespmem:s21], [sflag:$0x2] =	stream.indirect_vreg.gather [hbm4b:s3+s2], $0x80, v4, vm0, $0xb8;
	[tilespmem:$0x10080] =	vst v63  }
0x64: {  	v3 =	vperm.xlane v3, v2;
	s21 =	simm.s32 $0xC880  }
0x65: {  	[tilespmem:s21], [sflag:$0x2] =	stream.indirect_vreg.gather [hbm4b:s5+s2], $0x80, v4, vm0, $0xb8;
	[tilespmem:$0x10080] =	vst v63  }
0x66: {  	v3 =	vadd.s32 v1, v3;
	s21 =	simm.s32 $0xD080  }
0x67: {  	[tilespmem:s21], [sflag:$0x2] =	stream.indirect_vreg.gather [hbm4b:s6+s2], $0x80, v4, vm0, $0xb8;
	[tilespmem:$0x10080] =	vst v63  }
0x68: {  	s21 =	simm.s32 $0xD880  }
0x69: {  	[tilespmem:s21], [sflag:$0x2] =	stream.indirect_vreg.gather [hbm4b:s7+s2], $0x80, v4, vm0, $0xb8;
	[tilespmem:$0x10080] =	vst v63  }
0x6a: {  	s21 =	simm.s32 $0xE080  }
0x6b: {  	[tilespmem:s21], [sflag:$0x2] =	stream.indirect_vreg.gather [hbm4b:s3+s2], $0x80, v3, vm0, $0xb8;
	[tilespmem:$0x10080] =	vst v63  }
0x6c: {  	s21 =	simm.s32 $0xE880  }
0x6d: {  	[tilespmem:s21], [sflag:$0x2] =	stream.indirect_vreg.gather [hbm4b:s5+s2], $0x80, v3, vm0, $0xb8;
	[tilespmem:$0x10080] =	vst v63  }
0x6e: {  	s21 =	simm.s32 $0xF080  }
0x6f: {  	[tilespmem:s21], [sflag:$0x2] =	stream.indirect_vreg.gather [hbm4b:s6+s2], $0x80, v3, vm0, $0xb8;
	[tilespmem:$0x10080] =	vst v63  }
0x70: {  	s21 =	simm.s32 $0xF880  }
0x71: {  	[tilespmem:s21], [sflag:$0x2] =	stream.indirect_vreg.gather [hbm4b:s7+s2], $0x80, v3, vm0, $0xb8;
	[tilespmem:$0x10080] =	vst v63  }
0x72: {  	s21 =	rddreg [dreg:$0x8]  }
0x73: {  	[hbm4b:s21+s2] =	stream.linear.scatter [tilespmem:s28], [sflag:$0x3], $0x8000, $0x38;
	[tilespmem:$0x10080] =	vst v63  }
0x74: {  	_ =	swait.ge [sflag:s9], $0x8000  }
0x75: {  	[sflag:s9] =	ssyncset.done $0x0  }
0x76: {  	[sflag:s9] =	ssyncadd.s32 $0xFFFF8000  }
0x77: {  	_ =	swait.ge [sflag:s20], $0x8000  }
0x78: {  	[sflag:s20] =	ssyncset.done $0x0  }
0x79: {  	[sflag:s20] =	ssyncadd.s32 $0xFFFF8000  }
0x7a: {  	v3 =	vld [tilespmem:$0x40];
	_ =	sdelay $0x4  }
0x7b: {  	v60 =	vshll.u32 v3, $0x3  }
0x7c: {  	v3 =	vand.u32 $0x7, v3;
	v4 =	vand.u32 $0xFFFFFFC0, v60  }
0x7d: {  	v3 =	vor.u32 v3, v4  }
0x7e: {  	v4 =	vperm.xlane v3, v0;
	_ =	sdelay $0x1  }
0x7f: {  	v4 =	vadd.s32 v1, v4;
	_ =	sdelay $0x4  }
0x80: {  	[tilespmem:s28], [sflag:$0x1] =	stream.indirect_vreg.gather [hbm4b:s3+s2], $0x80, v4, vm0, $0xb8;
	[tilespmem:$0x10080] =	vst v63  }
0x81: {  	v3 =	vperm.xlane v3, v2  }
0x82: {  	[tilespmem:s22], [sflag:$0x1] =	stream.indirect_vreg.gather [hbm4b:s5+s2], $0x80, v4, vm0, $0xb8;
	[tilespmem:$0x10080] =	vst v63  }
0x83: {  	v3 =	vadd.s32 v1, v3  }
0x84: {  	[tilespmem:s23], [sflag:$0x1] =	stream.indirect_vreg.gather [hbm4b:s6+s2], $0x80, v4, vm0, $0xb8;
	[tilespmem:$0x10080] =	vst v63  }
0x85: {  	_ = 	snop  }
0x86: {  	[tilespmem:s24], [sflag:$0x1] =	stream.indirect_vreg.gather [hbm4b:s7+s2], $0x80, v4, vm0, $0xb8;
	[tilespmem:$0x10080] =	vst v63  }
0x87: {  	_ = 	snop  }
0x88: {  	[tilespmem:s25], [sflag:$0x1] =	stream.indirect_vreg.gather [hbm4b:s3+s2], $0x80, v3, vm0, $0xb8;
	[tilespmem:$0x10080] =	vst v63  }
0x89: {  	_ = 	snop  }
0x8a: {  	[tilespmem:s29], [sflag:$0x1] =	stream.indirect_vreg.gather [hbm4b:s5+s2], $0x80, v3, vm0, $0xb8;
	[tilespmem:$0x10080] =	vst v63  }
0x8b: {  	_ = 	snop  }
0x8c: {  	[tilespmem:s30], [sflag:$0x1] =	stream.indirect_vreg.gather [hbm4b:s6+s2], $0x80, v3, vm0, $0xb8;
	[tilespmem:$0x10080] =	vst v63  }
0x8d: {  	_ = 	snop  }
0x8e: {  	[tilespmem:s31], [sflag:$0x1] =	stream.indirect_vreg.gather [hbm4b:s7+s2], $0x80, v3, vm0, $0xb8;
	[tilespmem:$0x10080] =	vst v63  }
0x8f: {  	v3 =	vld [tilespmem:$0x50];
	_ =	sdelay $0x4  }
0x90: {  	v61 =	vshll.u32 v3, $0x3  }
0x91: {  	v3 =	vand.u32 $0x7, v3;
	v4 =	vand.u32 $0xFFFFFFC0, v61  }
0x92: {  	v3 =	vor.u32 v3, v4  }
0x93: {  	v4 =	vperm.xlane v3, v0;
	_ =	sdelay $0x1  }
0x94: {  	v4 =	vadd.s32 v1, v4;
	_ =	sdelay $0x4  }
0x95: {  	[tilespmem:s4], [sflag:$0x1] =	stream.indirect_vreg.gather [hbm4b:s3+s2], $0x80, v4, vm0, $0xb8;
	[tilespmem:$0x10080] =	vst v63  }
0x96: {  	v3 =	vperm.xlane v3, v2  }
0x97: {  	[tilespmem:s1], [sflag:$0x1] =	stream.indirect_vreg.gather [hbm4b:s5+s2], $0x80, v4, vm0, $0xb8;
	[tilespmem:$0x10080] =	vst v63  }
0x98: {  	v3 =	vadd.s32 v1, v3  }
0x99: {  	[tilespmem:s11], [sflag:$0x1] =	stream.indirect_vreg.gather [hbm4b:s6+s2], $0x80, v4, vm0, $0xb8;
	[tilespmem:$0x10080] =	vst v63  }
0x9a: {  	_ = 	snop  }
0x9b: {  	[tilespmem:s12], [sflag:$0x1] =	stream.indirect_vreg.gather [hbm4b:s7+s2], $0x80, v4, vm0, $0xb8;
	[tilespmem:$0x10080] =	vst v63  }
0x9c: {  	_ = 	snop  }
0x9d: {  	[tilespmem:s13], [sflag:$0x1] =	stream.indirect_vreg.gather [hbm4b:s3+s2], $0x80, v3, vm0, $0xb8;
	[tilespmem:$0x10080] =	vst v63  }
0x9e: {  	_ = 	snop  }
0x9f: {  	[tilespmem:s14], [sflag:$0x1] =	stream.indirect_vreg.gather [hbm4b:s5+s2], $0x80, v3, vm0, $0xb8;
	[tilespmem:$0x10080] =	vst v63  }
0xa0: {  	_ = 	snop  }
0xa1: {  	[tilespmem:s15], [sflag:$0x1] =	stream.indirect_vreg.gather [hbm4b:s6+s2], $0x80, v3, vm0, $0xb8;
	[tilespmem:$0x10080] =	vst v63  }
0xa2: {  	_ = 	snop  }
0xa3: {  	[tilespmem:s16], [sflag:$0x1] =	stream.indirect_vreg.gather [hbm4b:s7+s2], $0x80, v3, vm0, $0xb8;
	[tilespmem:$0x10080] =	vst v63  }
0xa4: {  	s21 =	rddreg [dreg:$0x5]  }
0xa5: {  	[hbm4b:s21+s2] =	stream.linear.scatter [tilespmem:s26], [sflag:$0x3], $0x8000, $0x38;
	[tilespmem:$0x10080] =	vst v63  }
0xa6: {  	_ =	swait.ge [sflag:s9], $0x8000  }
0xa7: {  	[sflag:s9] =	ssyncset.done $0x0  }
0xa8: {  	[sflag:s9] =	ssyncadd.s32 $0xFFFF8000  }
0xa9: {  	_ =	swait.ge [sflag:s0], $0x8000  }
0xaa: {  	[sflag:s0] =	ssyncset.done $0x0  }
0xab: {  	[sflag:s0] =	ssyncadd.s32 $0xFFFF8000  }
0xac: {  	v3 =	vld [tilespmem:$0x60];
	_ =	sdelay $0x4  }
0xad: {  	v62 =	vshll.u32 v3, $0x3  }
0xae: {  	v3 =	vand.u32 $0x7, v3;
	v4 =	vand.u32 $0xFFFFFFC0, v62  }
0xaf: {  	v3 =	vor.u32 v3, v4  }
0xb0: {  	v4 =	vperm.xlane v3, v0;
	_ =	sdelay $0x1  }
0xb1: {  	v4 =	vadd.s32 v1, v4;
	_ =	sdelay $0x4  }
0xb2: {  	[tilespmem:s26], [sflag:$0x2] =	stream.indirect_vreg.gather [hbm4b:s3+s2], $0x80, v4, vm0, $0xb8;
	[tilespmem:$0x10080] =	vst v63  }
0xb3: {  	v3 =	vperm.xlane v3, v2  }
0xb4: {  	[tilespmem:s17], [sflag:$0x2] =	stream.indirect_vreg.gather [hbm4b:s5+s2], $0x80, v4, vm0, $0xb8;
	[tilespmem:$0x10080] =	vst v63  }
0xb5: {  	v3 =	vadd.s32 v1, v3  }
0xb6: {  	[tilespmem:s18], [sflag:$0x2] =	stream.indirect_vreg.gather [hbm4b:s6+s2], $0x80, v4, vm0, $0xb8;
	[tilespmem:$0x10080] =	vst v63  }
0xb7: {  	_ = 	snop  }
0xb8: {  	[tilespmem:s19], [sflag:$0x2] =	stream.indirect_vreg.gather [hbm4b:s7+s2], $0x80, v4, vm0, $0xb8;
	[tilespmem:$0x10080] =	vst v63  }
0xb9: {  	s21 =	simm.s32 $0xA080  }
0xba: {  	[tilespmem:s21], [sflag:$0x2] =	stream.indirect_vreg.gather [hbm4b:s3+s2], $0x80, v3, vm0, $0xb8;
	[tilespmem:$0x10080] =	vst v63  }
0xbb: {  	_ = 	snop  }
0xbc: {  	[tilespmem:s10], [sflag:$0x2] =	stream.indirect_vreg.gather [hbm4b:s5+s2], $0x80, v3, vm0, $0xb8;
	[tilespmem:$0x10080] =	vst v63  }
0xbd: {  	s21 =	simm.s32 $0xB080  }
0xbe: {  	[tilespmem:s21], [sflag:$0x2] =	stream.indirect_vreg.gather [hbm4b:s6+s2], $0x80, v3, vm0, $0xb8;
	[tilespmem:$0x10080] =	vst v63  }
0xbf: {  	s10 =	simm.s32 $0xB880  }
0xc0: {  	[tilespmem:s10], [sflag:$0x2] =	stream.indirect_vreg.gather [hbm4b:s7+s2], $0x80, v3, vm0, $0xb8;
	[tilespmem:$0x10080] =	vst v63  }
0xc1: {  	v3 =	vld [tilespmem:$0x70];
	_ =	sdelay $0x4  }
0xc2: {  	v63 =	vshll.u32 v3, $0x3  }
0xc3: {  	v3 =	vand.u32 $0x7, v3;
	v4 =	vand.u32 $0xFFFFFFC0, v63  }
0xc4: {  	v3 =	vor.u32 v3, v4  }
0xc5: {  	v4 =	vperm.xlane v3, v0;
	_ =	sdelay $0x1  }
0xc6: {  	v4 =	vadd.s32 v1, v4;
	_ =	sdelay $0x3  }
0xc7: {  	s21 =	simm.s32 $0xC080  }
0xc8: {  	[tilespmem:s21], [sflag:$0x2] =	stream.indirect_vreg.gather [hbm4b:s3+s2], $0x80, v4, vm0, $0xb8;
	[tilespmem:$0x10080] =	vst v63  }
0xc9: {  	s10 =	simm.s32 $0xC880;
	v3 =	vperm.xlane v3, v2  }
0xca: {  	[tilespmem:s10], [sflag:$0x2] =	stream.indirect_vreg.gather [hbm4b:s5+s2], $0x80, v4, vm0, $0xb8;
	[tilespmem:$0x10080] =	vst v63  }
0xcb: {  	v3 =	vadd.s32 v1, v3;
	s21 =	simm.s32 $0xD080  }
0xcc: {  	[tilespmem:s21], [sflag:$0x2] =	stream.indirect_vreg.gather [hbm4b:s6+s2], $0x80, v4, vm0, $0xb8;
	[tilespmem:$0x10080] =	vst v63  }
0xcd: {  	s10 =	simm.s32 $0xD880  }
0xce: {  	[tilespmem:s10], [sflag:$0x2] =	stream.indirect_vreg.gather [hbm4b:s7+s2], $0x80, v4, vm0, $0xb8;
	[tilespmem:$0x10080] =	vst v63  }
0xcf: {  	s21 =	simm.s32 $0xE080  }
0xd0: {  	[tilespmem:s21], [sflag:$0x2] =	stream.indirect_vreg.gather [hbm4b:s3+s2], $0x80, v3, vm0, $0xb8;
	[tilespmem:$0x10080] =	vst v63  }
0xd1: {  	s10 =	simm.s32 $0xE880  }
0xd2: {  	[tilespmem:s10], [sflag:$0x2] =	stream.indirect_vreg.gather [hbm4b:s5+s2], $0x80, v3, vm0, $0xb8;
	[tilespmem:$0x10080] =	vst v63  }
0xd3: {  	s21 =	simm.s32 $0xF080  }
0xd4: {  	[tilespmem:s21], [sflag:$0x2] =	stream.indirect_vreg.gather [hbm4b:s6+s2], $0x80, v3, vm0, $0xb8;
	[tilespmem:$0x10080] =	vst v63  }
0xd5: {  	s10 =	simm.s32 $0xF880  }
0xd6: {  	[tilespmem:s10], [sflag:$0x2] =	stream.indirect_vreg.gather [hbm4b:s7+s2], $0x80, v3, vm0, $0xb8;
	[tilespmem:$0x10080] =	vst v63  }
0xd7: {  	s21 =	rddreg [dreg:$0x6]  }
0xd8: {  	[hbm4b:s21+s2] =	stream.linear.scatter [tilespmem:s28], [sflag:$0x3], $0x8000, $0x38;
	[tilespmem:$0x10080] =	vst v63  }
0xd9: {  	_ =	swait.ge [sflag:s9], $0x8000  }
0xda: {  	[sflag:s9] =	ssyncset.done $0x0  }
0xdb: {  	[sflag:s9] =	ssyncadd.s32 $0xFFFF8000  }
0xdc: {  	_ =	swait.ge [sflag:s20], $0x8000  }
0xdd: {  	p0 =	sne.s32 s8, $0x1;
	[sflag:s20] =	ssyncset.done $0x0  }
.Ltmp0:
0xde: {  	s10 =	rddreg [dreg:$0x7];
	[sflag:s20] =	ssyncadd.s32 $0xFFFF8000;
	(pc) =	sbr.rel @p0 .LBB2_1-.Ltmp0, $4  }
0xdf: {  	[hbm4b:s10+s2] =	stream.linear.scatter [tilespmem:s26], [sflag:$0x3], $0x8000, $0x38;
	[tilespmem:$0x10080] =	vst v63  }
0xe0: {  	_ =	swait.ge [sflag:s9], $0x8000  }
0xe1: {  	[sflag:s9] =	ssyncset.done $0x0  }
0xe2: {  	s8 =	sadd.s32 $0xFFFFFFFF, s8;
	[sflag:s9] =	ssyncadd.s32 $0xFFFF8000  }
0xe3: {  	_ =	sfence.sel $0x180000  }
0xe4: {  	[bflag:$0x0] =	sbarrier.arrive $0xFFFF  }
0xe5: {  	_ =	strace $0x90000047  }
0xe6: {  	s0 =	stileid.u32;
	[bflag:$0x2] =	sbarrier.arrive $0xFFFF  }
0xe7: {  	p0 =	sne.s32 s0, $0x0;
	s0 =	rddreg [dreg:$0x3]  }
0xe8: {  	s0 =	sadd.s32 @!p0 $0x100000, s0  }
0xe9: {  	[sflag:s0] =	ssyncadd.tile.s32 @!p0 $0x1;
	_ =	shalt  }
.Lfunc_end2:
_tile_overlayer_lowered:
.L_overlay_start_2:
0xea: {  	(tag) =	ssettag $0x2  }
0xeb: {  	s0 =	rddreg [dreg:$0x0];
	s2 =	stileid.u32  }
0xec: {  	s1 =	rddreg [dreg:$0x1];
	p0 =	sne.s32 s2, $0x0  }
0xed: {  	s3 =	rddreg [dreg:$0x2];
	[bflag:$0x3] =	sbarrier.arrive $0xFFFF;
	s2 =	simm.s32 @!p0 $0x1C03  }
0xee: {  	[timem:s3], [sflag:s2] =	dma.local @!p0 [hbm:s0], s1  }
0xef: {  	s0 =	simm.s32 @!p0 $0x3  }
0xf0: {  	_ =	swait.ge @!p0 [sflag:s0], s1  }
0xf1: {  	s1 =	ssub.s32 @!p0 $0x0, s1;
	[sflag:s0] =	ssyncset.done @!p0 $0x0  }
0xf2: {  	[sflag:s0] =	ssyncadd.s32 @!p0 s1  }
0xf3: {  	[bflag:$0x3] =	sbarrier.arrive $0xFFFF  }
0xf4: {  	_ =	shalt  }

</sc_bundles>
